<compile_context>
chip_gen: v7x
topology: tpu7x:2x2x1
jax: 0.10.2.dev20260603
libtpu: 0.0.44.dev20260713+nightly
codegen_flags: <defaults>
</compile_context>

<pallas_src>
import functools

import jax
import jax.numpy as jnp
from jax import lax
from jax.experimental import pallas as pl
from jax.experimental.pallas import tpu as pltpu
from jax.experimental.pallas import tpu_sc as plsc

VOCAB = 100000
EMBED = 128
HIDDEN = 256
BATCH = 4096
SEQ = 50
TOKENS = BATCH * SEQ

_NW = 32
_TPW = TOKENS // _NW
_CHUNK = 128
_NCHUNK = _TPW // _CHUNK
_NBUF = 2


def _gather_body(table_hbm, idx_hbm, out_hbm, idx_v, bufs, gsems, ssems):
    wid = lax.axis_index("s") * 2 + lax.axis_index("c")
    base = wid * _TPW

    pltpu.sync_copy(idx_hbm.at[wid], idx_v)

    def gather_op(chunk, b):
        return pltpu.make_async_copy(
            table_hbm.at[idx_v.at[chunk]], bufs[b], gsems[b])

    def scatter_op(chunk, b):
        off = base + chunk * _CHUNK
        return pltpu.make_async_copy(
            bufs[b], out_hbm.at[pl.ds(off, _CHUNK)], ssems[b])

    for b in range(_NBUF):
        gather_op(b, b).start()

    def group(g, carry):
        for b in range(_NBUF):
            i = g * _NBUF + b
            gather_op(i, b).wait()
            scatter_op(i, b).start()
            scatter_op(i, b).wait()
            gather_op(i + _NBUF, b).start()
        return carry

    lax.fori_loop(0, (_NCHUNK - _NBUF) // _NBUF, group, 0)

    for b in range(_NBUF):
        i = _NCHUNK - _NBUF + b
        gather_op(i, b).wait()
        scatter_op(i, b).start()
    for b in range(_NBUF):
        i = _NCHUNK - _NBUF + b
        scatter_op(i, b).wait()


_gather = functools.partial(
    pl.kernel,
    out_type=jax.ShapeDtypeStruct((TOKENS, EMBED), jnp.float32),
    mesh=plsc.VectorSubcoreMesh(core_axis_name="c", subcore_axis_name="s"),
    scratch_types=[
        pltpu.VMEM((_NCHUNK, _CHUNK), jnp.int32),
        [pltpu.VMEM((_CHUNK, EMBED), jnp.float32) for _ in range(_NBUF)],
        [pltpu.SemaphoreType.DMA for _ in range(_NBUF)],
        [pltpu.SemaphoreType.DMA for _ in range(_NBUF)],
    ],
)(_gather_body)


_TB = 3200


def _proj_body(e_ref, w_ref, b_ref, o_ref):
    acc = jnp.dot(e_ref[...], w_ref[...], preferred_element_type=jnp.float32)
    o_ref[...] = jnp.maximum(acc + b_ref[...], 0.0)


def _project(embs, W, b):
    return pl.pallas_call(
        _proj_body,
        grid=(TOKENS // _TB,),
        in_specs=[
            pl.BlockSpec((_TB, EMBED), lambda i: (i, 0)),
            pl.BlockSpec((EMBED, HIDDEN), lambda i: (0, 0)),
            pl.BlockSpec((1, HIDDEN), lambda i: (0, 0)),
        ],
        out_specs=pl.BlockSpec((_TB, HIDDEN), lambda i: (i, 0)),
        out_shape=jax.ShapeDtypeStruct((TOKENS, HIDDEN), jnp.float32),
    )(embs, W, b.reshape(1, HIDDEN))


def kernel(X, table, W, b):
    idx = X.T.reshape(_NW, _NCHUNK, _CHUNK).astype(jnp.int32)
    embs = _gather(table, idx)
    out = _project(embs, W, b)
    return out.reshape(SEQ, BATCH, HIDDEN).transpose(1, 0, 2)

# --- scband reference (transcript-rebuilt; emitter-appended) ---
"""Pipeline reference for scband-rep-embedding-model-45638322487781 (READ-ONLY COPY).

The authoritative reference and input builder live on the scoring server;
editing this copy changes nothing except your own understanding.
"""

import jax, jax.numpy as jnp
import numpy as np

VOCAB = 100000
EMBED_DIM = 128
HIDDEN_DIM = 256
BATCH = 4096
SEQ = 50

def setup_inputs(seed: int = 0) -> dict:
    key = jax.random.key(seed)
    k1, k2, k3, k4 = jax.random.split(key, 4)
    X = jax.random.randint(k1, (BATCH, SEQ), 0, VOCAB, dtype=jnp.int64 if jax.config.jax_enable_x64 else jnp.int32)
    table = jax.random.normal(k2, (VOCAB, EMBED_DIM), dtype=jnp.float32)
    # nn.Linear default init: uniform(-1/sqrt(fan_in), 1/sqrt(fan_in))
    bound = 1.0 / np.sqrt(EMBED_DIM)
    W = jax.random.uniform(k3, (EMBED_DIM, HIDDEN_DIM), minval=-bound, maxval=bound, dtype=jnp.float32)
    b = jax.random.uniform(k4, (HIDDEN_DIM,), minval=-bound, maxval=bound, dtype=jnp.float32)
    return {"X": X, "table": table, "W": W, "b": b}

def reference(X, table, W, b):
    embs = jnp.take(table, X, axis=0)          # [B, S, E] embedding lookup (gather)
    out = jnp.einsum('bse,eh->bsh', embs, W) + b  # Linear
    return jax.nn.relu(out)

if __name__ == "__main__":
    import jax
    _d = setup_inputs()
    print(jax.jit(kernel)(*tuple(_d.values())))

</pallas_src>

<mosaic_0001>
#map = affine_map<(d0, d1) -> (0, 0)>
#map1 = affine_map<(d0, d1) -> (0, 0, 0)>
module attributes {stable_mosaic.version = 14 : i64} {
  func.func @_gather_body(%arg0: i32, %arg1: i32, %arg2: memref<100000x128xf32, #tpu.memory_space<hbm>>, %arg3: memref<32x50x128xi32, #tpu.memory_space<hbm>>, %arg4: memref<204800x128xf32, #tpu.memory_space<hbm>>, %arg5: memref<50x128xi32, #tpu.memory_space<vmem>>, %arg6: memref<128x128xf32, #tpu.memory_space<vmem>>, %arg7: memref<128x128xf32, #tpu.memory_space<vmem>>, %arg8: memref<!tpu.dma_semaphore, #tpu.memory_space<semaphore_mem>>, %arg9: memref<!tpu.dma_semaphore, #tpu.memory_space<semaphore_mem>>, %arg10: memref<!tpu.dma_semaphore, #tpu.memory_space<semaphore_mem>>, %arg11: memref<!tpu.dma_semaphore, #tpu.memory_space<semaphore_mem>>) attributes {dimension_semantics = [#tpu.dimension_semantics<core_parallel>, #tpu.dimension_semantics<subcore_parallel>], iteration_bounds = array<i64: 2, 16>, scalar_prefetch = 0 : i64, scratch_operands = 7 : i64, tpu.core_type = #tpu.core_type<sc_vector_subcore>, window_params = [{transform_indices = #map}, {transform_indices = #map1}, {transform_indices = #map}]} {
    %mul3A = arith.constant 2 : i32
    %mul3A_0 = arith.muli %arg1, %mul3A : i32
    %add3A = arith.addi %mul3A_0, %arg0 : i32
    %mul3A_1 = arith.constant 6400 : i32
    %mul3A_2 = arith.muli %add3A, %mul3A_1 : i32
    "tpu.region"() ({
      %run_scoped3A = tpu.sem_alloc : memref<!tpu.dma_semaphore, #tpu.memory_space<semaphore_mem>>
      %dma_start3A_58 = arith.constant 0 : i32
      %dma_start3A_59 = arith.constant 0 : i32
      %dma_start3A_60 = tpu.memref_slice %arg3[%add3A, %dma_start3A_58, %dma_start3A_59] : memref<32x50x128xi32, #tpu.memory_space<hbm>> -> memref<1x50x128xi32, #tpu.memory_space<hbm>>
      %dma_start3A_61 = tpu.memref_squeeze %dma_start3A_60 : memref<1x50x128xi32, #tpu.memory_space<hbm>> -> memref<50x128xi32, #tpu.memory_space<hbm>>
      %dma_start3A_62 = arith.constant 0 : i32
      %dma_start3A_63 = arith.constant 0 : i32
      %dma_start3A_64 = tpu.memref_slice %arg3[%add3A, %dma_start3A_62, %dma_start3A_63] : memref<32x50x128xi32, #tpu.memory_space<hbm>> -> memref<1x50x128xi32, #tpu.memory_space<hbm>>
      %dma_start3A_65 = tpu.memref_squeeze %dma_start3A_64 : memref<1x50x128xi32, #tpu.memory_space<hbm>> -> memref<50x128xi32, #tpu.memory_space<hbm>>
      tpu.enqueue_dma source(%dma_start3A_65 : memref<50x128xi32, #tpu.memory_space<hbm>>) target(%arg5 : memref<50x128xi32, #tpu.memory_space<vmem>>) target_semaphore(%run_scoped3A : memref<!tpu.dma_semaphore, #tpu.memory_space<semaphore_mem>>)
      %dma_wait3A_66 = arith.constant 0 : i32
      %dma_wait3A_67 = arith.constant 0 : i32
      %dma_wait3A_68 = tpu.memref_slice %arg3[%add3A, %dma_wait3A_66, %dma_wait3A_67] : memref<32x50x128xi32, #tpu.memory_space<hbm>> -> memref<1x50x128xi32, #tpu.memory_space<hbm>>
      %dma_wait3A_69 = tpu.memref_squeeze %dma_wait3A_68 : memref<1x50x128xi32, #tpu.memory_space<hbm>> -> memref<50x128xi32, #tpu.memory_space<hbm>>
      %dma_wait3A_70 = arith.constant 0 : i32
      %dma_wait3A_71 = arith.constant 0 : i32
      %dma_wait3A_72 = tpu.memref_slice %arg3[%add3A, %dma_wait3A_70, %dma_wait3A_71] : memref<32x50x128xi32, #tpu.memory_space<hbm>> -> memref<1x50x128xi32, #tpu.memory_space<hbm>>
      %dma_wait3A_73 = tpu.memref_squeeze %dma_wait3A_72 : memref<1x50x128xi32, #tpu.memory_space<hbm>> -> memref<50x128xi32, #tpu.memory_space<hbm>>
      tpu.wait_dma2 semaphore(%run_scoped3A : memref<!tpu.dma_semaphore, #tpu.memory_space<semaphore_mem>>) src(%dma_wait3A_73 : memref<50x128xi32, #tpu.memory_space<hbm>>) dst(%arg5 : memref<50x128xi32, #tpu.memory_space<vmem>>)
      tpu.yield
    }) : () -> ()
    %dma_start3A = arith.constant 0 : i32
    %dma_start3A_3 = arith.constant 0 : i32
    %dma_start3A_4 = tpu.memref_slice %arg5[%dma_start3A, %dma_start3A_3] : memref<50x128xi32, #tpu.memory_space<vmem>> -> memref<1x128xi32, #tpu.memory_space<vmem>>
    %dma_start3A_5 = tpu.memref_squeeze %dma_start3A_4 : memref<1x128xi32, #tpu.memory_space<vmem>> -> memref<128xi32, #tpu.memory_space<vmem>>
    %dma_start3A_6 = arith.constant 0 : i32
    %dma_start3A_7 = arith.constant 0 : i32
    %dma_start3A_8 = tpu.memref_slice %arg2[%dma_start3A_6, %dma_start3A_7] : memref<100000x128xf32, #tpu.memory_space<hbm>> -> memref<100000x128xf32, #tpu.memory_space<hbm>>
    tpu.enqueue_indirect_dma source(%dma_start3A_8 : memref<100000x128xf32, #tpu.memory_space<hbm>>) target(%arg6 : memref<128x128xf32, #tpu.memory_space<vmem>>) offsets(%dma_start3A_5 : memref<128xi32, #tpu.memory_space<vmem>>) semaphore(%arg8 : memref<!tpu.dma_semaphore, #tpu.memory_space<semaphore_mem>>)
    %dma_start3A_9 = arith.constant 1 : i32
    %dma_start3A_10 = arith.constant 0 : i32
    %dma_start3A_11 = tpu.memref_slice %arg5[%dma_start3A_9, %dma_start3A_10] : memref<50x128xi32, #tpu.memory_space<vmem>> -> memref<1x128xi32, #tpu.memory_space<vmem>>
    %dma_start3A_12 = tpu.memref_squeeze %dma_start3A_11 : memref<1x128xi32, #tpu.memory_space<vmem>> -> memref<128xi32, #tpu.memory_space<vmem>>
    %dma_start3A_13 = arith.constant 0 : i32
    %dma_start3A_14 = arith.constant 0 : i32
    %dma_start3A_15 = tpu.memref_slice %arg2[%dma_start3A_13, %dma_start3A_14] : memref<100000x128xf32, #tpu.memory_space<hbm>> -> memref<100000x128xf32, #tpu.memory_space<hbm>>
    tpu.enqueue_indirect_dma source(%dma_start3A_15 : memref<100000x128xf32, #tpu.memory_space<hbm>>) target(%arg7 : memref<128x128xf32, #tpu.memory_space<vmem>>) offsets(%dma_start3A_12 : memref<128xi32, #tpu.memory_space<vmem>>) semaphore(%arg9 : memref<!tpu.dma_semaphore, #tpu.memory_space<semaphore_mem>>)
    %scan3A = arith.constant 0 : i32
    %scan3A_16 = arith.constant 0 : i32
    %scan3A_17 = arith.constant 24 : i32
    %scan3A_18 = arith.addi %scan3A_16, %scan3A_17 : i32
    %scan3A_19 = arith.constant 1 : i32
    scf.for %scan3A_58 = %scan3A_16 to %scan3A_18 step %scan3A_19  : i32 {
      %mul3A_59 = arith.constant 2 : i32
      %mul3A_60 = arith.muli %scan3A_58, %mul3A_59 : i32
      %add3A_61 = arith.constant 0 : i32
      %add3A_62 = arith.addi %mul3A_60, %add3A_61 : i32
      %dma_wait3A_63 = arith.constant 0 : i32
      %dma_wait3A_64 = tpu.memref_slice %arg5[%add3A_62, %dma_wait3A_63] : memref<50x128xi32, #tpu.memory_space<vmem>> -> memref<1x128xi32, #tpu.memory_space<vmem>>
      %dma_wait3A_65 = tpu.memref_squeeze %dma_wait3A_64 : memref<1x128xi32, #tpu.memory_space<vmem>> -> memref<128xi32, #tpu.memory_space<vmem>>
      %dma_wait3A_66 = arith.constant 0 : i32
      %dma_wait3A_67 = arith.constant 0 : i32
      %dma_wait3A_68 = tpu.memref_slice %arg2[%dma_wait3A_66, %dma_wait3A_67] : memref<100000x128xf32, #tpu.memory_space<hbm>> -> memref<100000x128xf32, #tpu.memory_space<hbm>>
      tpu.wait_indirect_dma semaphore(%arg8 : memref<!tpu.dma_semaphore, #tpu.memory_space<semaphore_mem>>) src(%dma_wait3A_68 : memref<100000x128xf32, #tpu.memory_space<hbm>>) dst(%arg6 : memref<128x128xf32, #tpu.memory_space<vmem>>)
      %mul3A_69 = arith.constant 128 : i32
      %mul3A_70 = arith.muli %add3A_62, %mul3A_69 : i32
      %add3A_71 = arith.addi %mul3A_2, %mul3A_70 : i32
      %dma_start3A_72 = arith.constant 0 : i32
      %dma_start3A_73 = tpu.memref_slice %arg4[%add3A_71, %dma_start3A_72] : memref<204800x128xf32, #tpu.memory_space<hbm>> -> memref<128x128xf32, #tpu.memory_space<hbm>>
      %dma_start3A_74 = arith.constant 0 : i32
      %dma_start3A_75 = tpu.memref_slice %arg4[%add3A_71, %dma_start3A_74] : memref<204800x128xf32, #tpu.memory_space<hbm>> -> memref<128x128xf32, #tpu.memory_space<hbm>>
      tpu.enqueue_dma source(%arg6 : memref<128x128xf32, #tpu.memory_space<vmem>>) target(%dma_start3A_75 : memref<128x128xf32, #tpu.memory_space<hbm>>) target_semaphore(%arg10 : memref<!tpu.dma_semaphore, #tpu.memory_space<semaphore_mem>>)
      %mul3A_76 = arith.constant 128 : i32
      %mul3A_77 = arith.muli %add3A_62, %mul3A_76 : i32
      %add3A_78 = arith.addi %mul3A_2, %mul3A_77 : i32
      %dma_wait3A_79 = arith.constant 0 : i32
      %dma_wait3A_80 = tpu.memref_slice %arg4[%add3A_78, %dma_wait3A_79] : memref<204800x128xf32, #tpu.memory_space<hbm>> -> memref<128x128xf32, #tpu.memory_space<hbm>>
      %dma_wait3A_81 = arith.constant 0 : i32
      %dma_wait3A_82 = tpu.memref_slice %arg4[%add3A_78, %dma_wait3A_81] : memref<204800x128xf32, #tpu.memory_space<hbm>> -> memref<128x128xf32, #tpu.memory_space<hbm>>
      tpu.wait_dma2 semaphore(%arg10 : memref<!tpu.dma_semaphore, #tpu.memory_space<semaphore_mem>>) src(%arg6 : memref<128x128xf32, #tpu.memory_space<vmem>>) dst(%dma_wait3A_82 : memref<128x128xf32, #tpu.memory_space<hbm>>)
      %add3A_83 = arith.constant 2 : i32
      %add3A_84 = arith.addi %add3A_62, %add3A_83 : i32
      %dma_start3A_85 = arith.constant 0 : i32
      %dma_start3A_86 = tpu.memref_slice %arg5[%add3A_84, %dma_start3A_85] : memref<50x128xi32, #tpu.memory_space<vmem>> -> memref<1x128xi32, #tpu.memory_space<vmem>>
      %dma_start3A_87 = tpu.memref_squeeze %dma_start3A_86 : memref<1x128xi32, #tpu.memory_space<vmem>> -> memref<128xi32, #tpu.memory_space<vmem>>
      %dma_start3A_88 = arith.constant 0 : i32
      %dma_start3A_89 = arith.constant 0 : i32
      %dma_start3A_90 = tpu.memref_slice %arg2[%dma_start3A_88, %dma_start3A_89] : memref<100000x128xf32, #tpu.memory_space<hbm>> -> memref<100000x128xf32, #tpu.memory_space<hbm>>
      tpu.enqueue_indirect_dma source(%dma_start3A_90 : memref<100000x128xf32, #tpu.memory_space<hbm>>) target(%arg6 : memref<128x128xf32, #tpu.memory_space<vmem>>) offsets(%dma_start3A_87 : memref<128xi32, #tpu.memory_space<vmem>>) semaphore(%arg8 : memref<!tpu.dma_semaphore, #tpu.memory_space<semaphore_mem>>)
      %mul3A_91 = arith.constant 2 : i32
      %mul3A_92 = arith.muli %scan3A_58, %mul3A_91 : i32
      %add3A_93 = arith.constant 1 : i32
      %add3A_94 = arith.addi %mul3A_92, %add3A_93 : i32
      %dma_wait3A_95 = arith.constant 0 : i32
      %dma_wait3A_96 = tpu.memref_slice %arg5[%add3A_94, %dma_wait3A_95] : memref<50x128xi32, #tpu.memory_space<vmem>> -> memref<1x128xi32, #tpu.memory_space<vmem>>
      %dma_wait3A_97 = tpu.memref_squeeze %dma_wait3A_96 : memref<1x128xi32, #tpu.memory_space<vmem>> -> memref<128xi32, #tpu.memory_space<vmem>>
      %dma_wait3A_98 = arith.constant 0 : i32
      %dma_wait3A_99 = arith.constant 0 : i32
      %dma_wait3A_100 = tpu.memref_slice %arg2[%dma_wait3A_98, %dma_wait3A_99] : memref<100000x128xf32, #tpu.memory_space<hbm>> -> memref<100000x128xf32, #tpu.memory_space<hbm>>
      tpu.wait_indirect_dma semaphore(%arg9 : memref<!tpu.dma_semaphore, #tpu.memory_space<semaphore_mem>>) src(%dma_wait3A_100 : memref<100000x128xf32, #tpu.memory_space<hbm>>) dst(%arg7 : memref<128x128xf32, #tpu.memory_space<vmem>>)
      %mul3A_101 = arith.constant 128 : i32
      %mul3A_102 = arith.muli %add3A_94, %mul3A_101 : i32
      %add3A_103 = arith.addi %mul3A_2, %mul3A_102 : i32
      %dma_start3A_104 = arith.constant 0 : i32
      %dma_start3A_105 = tpu.memref_slice %arg4[%add3A_103, %dma_start3A_104] : memref<204800x128xf32, #tpu.memory_space<hbm>> -> memref<128x128xf32, #tpu.memory_space<hbm>>
      %dma_start3A_106 = arith.constant 0 : i32
      %dma_start3A_107 = tpu.memref_slice %arg4[%add3A_103, %dma_start3A_106] : memref<204800x128xf32, #tpu.memory_space<hbm>> -> memref<128x128xf32, #tpu.memory_space<hbm>>
      tpu.enqueue_dma source(%arg7 : memref<128x128xf32, #tpu.memory_space<vmem>>) target(%dma_start3A_107 : memref<128x128xf32, #tpu.memory_space<hbm>>) target_semaphore(%arg11 : memref<!tpu.dma_semaphore, #tpu.memory_space<semaphore_mem>>)
      %mul3A_108 = arith.constant 128 : i32
      %mul3A_109 = arith.muli %add3A_94, %mul3A_108 : i32
      %add3A_110 = arith.addi %mul3A_2, %mul3A_109 : i32
      %dma_wait3A_111 = arith.constant 0 : i32
      %dma_wait3A_112 = tpu.memref_slice %arg4[%add3A_110, %dma_wait3A_111] : memref<204800x128xf32, #tpu.memory_space<hbm>> -> memref<128x128xf32, #tpu.memory_space<hbm>>
      %dma_wait3A_113 = arith.constant 0 : i32
      %dma_wait3A_114 = tpu.memref_slice %arg4[%add3A_110, %dma_wait3A_113] : memref<204800x128xf32, #tpu.memory_space<hbm>> -> memref<128x128xf32, #tpu.memory_space<hbm>>
      tpu.wait_dma2 semaphore(%arg11 : memref<!tpu.dma_semaphore, #tpu.memory_space<semaphore_mem>>) src(%arg7 : memref<128x128xf32, #tpu.memory_space<vmem>>) dst(%dma_wait3A_114 : memref<128x128xf32, #tpu.memory_space<hbm>>)
      %add3A_115 = arith.constant 2 : i32
      %add3A_116 = arith.addi %add3A_94, %add3A_115 : i32
      %dma_start3A_117 = arith.constant 0 : i32
      %dma_start3A_118 = tpu.memref_slice %arg5[%add3A_116, %dma_start3A_117] : memref<50x128xi32, #tpu.memory_space<vmem>> -> memref<1x128xi32, #tpu.memory_space<vmem>>
      %dma_start3A_119 = tpu.memref_squeeze %dma_start3A_118 : memref<1x128xi32, #tpu.memory_space<vmem>> -> memref<128xi32, #tpu.memory_space<vmem>>
      %dma_start3A_120 = arith.constant 0 : i32
      %dma_start3A_121 = arith.constant 0 : i32
      %dma_start3A_122 = tpu.memref_slice %arg2[%dma_start3A_120, %dma_start3A_121] : memref<100000x128xf32, #tpu.memory_space<hbm>> -> memref<100000x128xf32, #tpu.memory_space<hbm>>
      tpu.enqueue_indirect_dma source(%dma_start3A_122 : memref<100000x128xf32, #tpu.memory_space<hbm>>) target(%arg7 : memref<128x128xf32, #tpu.memory_space<vmem>>) offsets(%dma_start3A_119 : memref<128xi32, #tpu.memory_space<vmem>>) semaphore(%arg9 : memref<!tpu.dma_semaphore, #tpu.memory_space<semaphore_mem>>)
    }
    %scan3A_20 = arith.constant 24 : i32
    %dma_wait3A = arith.constant 48 : i32
    %dma_wait3A_21 = arith.constant 0 : i32
    %dma_wait3A_22 = tpu.memref_slice %arg5[%dma_wait3A, %dma_wait3A_21] : memref<50x128xi32, #tpu.memory_space<vmem>> -> memref<1x128xi32, #tpu.memory_space<vmem>>
    %dma_wait3A_23 = tpu.memref_squeeze %dma_wait3A_22 : memref<1x128xi32, #tpu.memory_space<vmem>> -> memref<128xi32, #tpu.memory_space<vmem>>
    %dma_wait3A_24 = arith.constant 0 : i32
    %dma_wait3A_25 = arith.constant 0 : i32
    %dma_wait3A_26 = tpu.memref_slice %arg2[%dma_wait3A_24, %dma_wait3A_25] : memref<100000x128xf32, #tpu.memory_space<hbm>> -> memref<100000x128xf32, #tpu.memory_space<hbm>>
    tpu.wait_indirect_dma semaphore(%arg8 : memref<!tpu.dma_semaphore, #tpu.memory_space<semaphore_mem>>) src(%dma_wait3A_26 : memref<100000x128xf32, #tpu.memory_space<hbm>>) dst(%arg6 : memref<128x128xf32, #tpu.memory_space<vmem>>)
    %add3A_27 = arith.constant 6144 : i32
    %add3A_28 = arith.addi %mul3A_2, %add3A_27 : i32
    %dma_start3A_29 = arith.constant 0 : i32
    %dma_start3A_30 = tpu.memref_slice %arg4[%add3A_28, %dma_start3A_29] : memref<204800x128xf32, #tpu.memory_space<hbm>> -> memref<128x128xf32, #tpu.memory_space<hbm>>
    %dma_start3A_31 = arith.constant 0 : i32
    %dma_start3A_32 = tpu.memref_slice %arg4[%add3A_28, %dma_start3A_31] : memref<204800x128xf32, #tpu.memory_space<hbm>> -> memref<128x128xf32, #tpu.memory_space<hbm>>
    tpu.enqueue_dma source(%arg6 : memref<128x128xf32, #tpu.memory_space<vmem>>) target(%dma_start3A_32 : memref<128x128xf32, #tpu.memory_space<hbm>>) target_semaphore(%arg10 : memref<!tpu.dma_semaphore, #tpu.memory_space<semaphore_mem>>)
    %dma_wait3A_33 = arith.constant 49 : i32
    %dma_wait3A_34 = arith.constant 0 : i32
    %dma_wait3A_35 = tpu.memref_slice %arg5[%dma_wait3A_33, %dma_wait3A_34] : memref<50x128xi32, #tpu.memory_space<vmem>> -> memref<1x128xi32, #tpu.memory_space<vmem>>
    %dma_wait3A_36 = tpu.memref_squeeze %dma_wait3A_35 : memref<1x128xi32, #tpu.memory_space<vmem>> -> memref<128xi32, #tpu.memory_space<vmem>>
    %dma_wait3A_37 = arith.constant 0 : i32
    %dma_wait3A_38 = arith.constant 0 : i32
    %dma_wait3A_39 = tpu.memref_slice %arg2[%dma_wait3A_37, %dma_wait3A_38] : memref<100000x128xf32, #tpu.memory_space<hbm>> -> memref<100000x128xf32, #tpu.memory_space<hbm>>
    tpu.wait_indirect_dma semaphore(%arg9 : memref<!tpu.dma_semaphore, #tpu.memory_space<semaphore_mem>>) src(%dma_wait3A_39 : memref<100000x128xf32, #tpu.memory_space<hbm>>) dst(%arg7 : memref<128x128xf32, #tpu.memory_space<vmem>>)
    %add3A_40 = arith.constant 6272 : i32
    %add3A_41 = arith.addi %mul3A_2, %add3A_40 : i32
    %dma_start3A_42 = arith.constant 0 : i32
    %dma_start3A_43 = tpu.memref_slice %arg4[%add3A_41, %dma_start3A_42] : memref<204800x128xf32, #tpu.memory_space<hbm>> -> memref<128x128xf32, #tpu.memory_space<hbm>>
    %dma_start3A_44 = arith.constant 0 : i32
    %dma_start3A_45 = tpu.memref_slice %arg4[%add3A_41, %dma_start3A_44] : memref<204800x128xf32, #tpu.memory_space<hbm>> -> memref<128x128xf32, #tpu.memory_space<hbm>>
    tpu.enqueue_dma source(%arg7 : memref<128x128xf32, #tpu.memory_space<vmem>>) target(%dma_start3A_45 : memref<128x128xf32, #tpu.memory_space<hbm>>) target_semaphore(%arg11 : memref<!tpu.dma_semaphore, #tpu.memory_space<semaphore_mem>>)
    %add3A_46 = arith.constant 6144 : i32
    %add3A_47 = arith.addi %mul3A_2, %add3A_46 : i32
    %dma_wait3A_48 = arith.constant 0 : i32
    %dma_wait3A_49 = tpu.memref_slice %arg4[%add3A_47, %dma_wait3A_48] : memref<204800x128xf32, #tpu.memory_space<hbm>> -> memref<128x128xf32, #tpu.memory_space<hbm>>
    %dma_wait3A_50 = arith.constant 0 : i32
    %dma_wait3A_51 = tpu.memref_slice %arg4[%add3A_47, %dma_wait3A_50] : memref<204800x128xf32, #tpu.memory_space<hbm>> -> memref<128x128xf32, #tpu.memory_space<hbm>>
    tpu.wait_dma2 semaphore(%arg10 : memref<!tpu.dma_semaphore, #tpu.memory_space<semaphore_mem>>) src(%arg6 : memref<128x128xf32, #tpu.memory_space<vmem>>) dst(%dma_wait3A_51 : memref<128x128xf32, #tpu.memory_space<hbm>>)
    %add3A_52 = arith.constant 6272 : i32
    %add3A_53 = arith.addi %mul3A_2, %add3A_52 : i32
    %dma_wait3A_54 = arith.constant 0 : i32
    %dma_wait3A_55 = tpu.memref_slice %arg4[%add3A_53, %dma_wait3A_54] : memref<204800x128xf32, #tpu.memory_space<hbm>> -> memref<128x128xf32, #tpu.memory_space<hbm>>
    %dma_wait3A_56 = arith.constant 0 : i32
    %dma_wait3A_57 = tpu.memref_slice %arg4[%add3A_53, %dma_wait3A_56] : memref<204800x128xf32, #tpu.memory_space<hbm>> -> memref<128x128xf32, #tpu.memory_space<hbm>>
    tpu.wait_dma2 semaphore(%arg11 : memref<!tpu.dma_semaphore, #tpu.memory_space<semaphore_mem>>) src(%arg7 : memref<128x128xf32, #tpu.memory_space<vmem>>) dst(%dma_wait3A_57 : memref<128x128xf32, #tpu.memory_space<hbm>>)
    return
  }
}

module attributes {stable_mosaic.version = 14 : i64} {
  func.func @_proj_body(%arg0: i32, %arg1: memref<3200x128xf32, #tpu.memory_space<vmem>>, %arg2: memref<128x256xf32, #tpu.memory_space<vmem>>, %arg3: memref<1x256xf32, #tpu.memory_space<vmem>>, %arg4: memref<3200x256xf32, #tpu.memory_space<vmem>>) attributes {dimension_semantics = [#tpu.dimension_semantics<arbitrary>], iteration_bounds = array<i64: 64>, scalar_prefetch = 0 : i64, scratch_operands = 0 : i64, tpu.core_type = #tpu.core_type<tc>, window_params = [{transform_indices = @transform_0, window_bounds = array<i64: 3200, 128>}, {pipeline_mode = #tpu.pipeline_mode<synchronous>, transform_indices = @transform_1, window_bounds = array<i64: 128, 256>}, {pipeline_mode = #tpu.pipeline_mode<synchronous>, transform_indices = @transform_2, window_bounds = array<i64: 1, 256>}, {transform_indices = @transform_3, window_bounds = array<i64: 3200, 256>}]} {
    %get3A = arith.constant 0 : index
    %get3A_0 = arith.constant 0 : index
    %get3A_1 = vector.load %arg1[%get3A, %get3A_0] : memref<3200x128xf32, #tpu.memory_space<vmem>>, vector<3200x128xf32>
    %get3A_2 = arith.constant 0 : index
    %get3A_3 = arith.constant 0 : index
    %get3A_4 = vector.load %arg2[%get3A_2, %get3A_3] : memref<128x256xf32, #tpu.memory_space<vmem>>, vector<128x256xf32>
    %dot_general3A = arith.constant dense<0.000000e+00> : vector<3200x256xf32>
    %dot_general3A_5 = tpu.matmul %get3A_1, %get3A_4, %dot_general3A {dimension_numbers = #tpu.dot_dimension_numbers<[1], [0], [0], [1], [0, 0, 1, 1], [], []>, transpose_lhs_hint = false} : vector<3200x128xf32>, vector<128x256xf32>, vector<3200x256xf32> -> vector<3200x256xf32>
    %get3A_6 = arith.constant 0 : index
    %get3A_7 = arith.constant 0 : index
    %get3A_8 = vector.load %arg3[%get3A_6, %get3A_7] : memref<1x256xf32, #tpu.memory_space<vmem>>, vector<1x256xf32>
    %add3A = vector.broadcast %get3A_8 : vector<1x256xf32> to vector<3200x256xf32>
    %add3A_9 = arith.addf %dot_general3A_5, %add3A : vector<3200x256xf32>
    %max3A = arith.constant 0.000000e+00 : f32
    %max3A_10 = vector.broadcast %max3A : f32 to vector<3200x256xf32>
    %max3A_11 = arith.maximumf %add3A_9, %max3A_10 : vector<3200x256xf32>
    %swap3A = arith.constant 0 : index
    %swap3A_12 = arith.constant 0 : index
    %swap3A_13 = vector.load %arg4[%swap3A, %swap3A_12] : memref<3200x256xf32, #tpu.memory_space<vmem>>, vector<3200x256xf32>
    tpu.vector_store %arg4[%swap3A, %swap3A_12], %max3A_11 {strides = array<i32>} : memref<3200x256xf32, #tpu.memory_space<vmem>>, vector<3200x256xf32>,
    return
  }
  func.func @transform_0(%arg0: i32) -> (i32, i32) {
    %c0_i32 = arith.constant 0 : i32
    %c0_i32_0 = arith.constant 0 : i32
    return %arg0, %c0_i32 : i32, i32
  }
  func.func @transform_1(%arg0: i32) -> (i32, i32) {
    %c0_i32 = arith.constant 0 : i32
    %c0_i32_0 = arith.constant 0 : i32
    %c0_i32_1 = arith.constant 0 : i32
    return %c0_i32, %c0_i32_0 : i32, i32
  }
  func.func @transform_2(%arg0: i32) -> (i32, i32) {
    %c0_i32 = arith.constant 0 : i32
    %c0_i32_0 = arith.constant 0 : i32
    %c0_i32_1 = arith.constant 0 : i32
    return %c0_i32, %c0_i32_0 : i32, i32
  }
  func.func @transform_3(%arg0: i32) -> (i32, i32) {
    %c0_i32 = arith.constant 0 : i32
    %c0_i32_0 = arith.constant 0 : i32
    return %arg0, %c0_i32 : i32, i32
  }
}

</mosaic_0001>

<sc_bundles>
// kernel: kernel.4.cloned.1.call-start
scs
__scs_entry_jumppad:
0x0: {  	(pc) =	sbr.rel $0x88, $3  }
0x1: {  	(tag) =	ssettag $0x0;
	lr =	simm.s32 $0x1  }
0x2: {  	[smem:$0x3F9D] =	sst lr;
	_ =	strace $0xD0000000  }
0x3: {  	_ = 	snop  }
0x4: {  	_ = 	snop  }
0x5: {  	_ = 	snop  }
0x6: {  	_ = 	snop  }
0x7: {  	_ = 	snop  }
__scs_overlays_trampoline_lowered:
0x8: {  	[smem:$0x3FAC] =	sst s0  }
0x9: {  	[smem:$0x3FAD] =	sst s1  }
0xa: {  	[smem:$0x3FAE] =	sst s2  }
0xb: {  	[smem:$0x3FAF] =	sst s3  }
0xc: {  	[smem:$0x3FB0] =	sst s4  }
0xd: {  	[smem:$0x3FB1] =	sst s5  }
0xe: {  	[smem:$0x3FB2] =	sst s6  }
0xf: {  	[smem:$0x3FB3] =	sst s7  }
0x10: {  	[smem:$0x3FB4] =	sst s8  }
0x11: {  	[smem:$0x3FB5] =	sst s9;
	s0 =	simm.s32 @!p0 $0x0  }
0x12: {  	s1 =	sld [smem:$0x3F9B];
	s0 =	simm.s32 @p0 $0x1  }
0x13: {  	[smem:$0x3FB6] =	sst s0;
	s0 =	simm.s32 @!p1 $0x0  }
0x14: {  	s2 =	sld [smem:$0x3F9A];
	s0 =	simm.s32 @p1 $0x1  }
0x15: {  	[smem:$0x3FB7] =	sst s0;
	s0 =	simm.s32 @!p2 $0x0  }
0x16: {  	s3 =	sld [smem:$0x3FDB];
	s0 =	simm.s32 @p2 $0x1  }
0x17: {  	s4 =	simm.s32 $0x1BF5;
	[smem:$0x3FB9] =	sst s0  }
0x18: {  	s0 =	sld [smem:$0x3F9C];
	_ =	swait.ge [sflag:s4], $0x0  }
0x19: {  	s7 =	sld [smem:$0x3F9D]  }
0x1a: {  	s8 =	sadd.s32 $0xFFFFE003, lr  }
0x1b: {  	s9 =	sadd.s32 $0xFFFFFEF7, lr;
	s5 =	simm.s32 $0xFFFFFFFF;
	p2 =	slt.u32 s8, $0xFFFFF086  }
0x1c: {  	p1 =	slt.u32 s9, $0xF7A;
	s5 =	simm.s32 @!p2 $0x0  }
0x1d: {  	s5 =	simm.s32 @p1 $0x1;
	p0 =	seq.s32 s7, s2  }
0x1e: {  	s7 =	smul.u32 @!p0 $0xF7A, s2;
	p2 =	seq.s32 @!p0 s5, $0x0  }
0x1f: {  	s9 =	smul.u32 $0xF7A, s1;
	s8 =	simm.s32 @!p0 $0x1BF5;
	p2 =	por !p2, p0  }
0x20: {  	[sflag:s8] =	ssyncset.s32 @!p0 $0xFFFFF086;
	s6 =	sadd.s32 @!p0 s3, s7;
	s7 =	simm.s32 @!p0 $0x108  }
0x21: {  	s3 =	sadd.s32 s3, s9;
	s6 =	sadd.s32 @!p0 $0x88, s6;
	s7 =	simm.s32 @p2 $0x1082  }
0x22: {  	[simem:s7], [sflag:s8] =	dma.local @!p0 [hbm:s6], $0xF7A  }
0x23: {  	s9 =	sor.u32 $0xD0000000, s2;
	s6 =	simm.s32 $0x108;
	_ =	swait.ge @!p0 [sflag:s8], $0x0  }
0x24: {  	s3 =	sadd.s32 $0x88, s3;
	s6 =	simm.s32 @!p1 $0x1082;
	[sflag:s4] =	ssyncset.s32 $0xFFFFF086  }
0x25: {  	[simem:s6], [sflag:s4] =	dma.local [hbm:s3], $0xF7A  }
0x26: {  	[smem:$0x3F9D] =	sst s1;
	(tag) =	ssettag s2;
	_ =	strace s9  }
0x27: {  	s1 =	sld [smem:$0x3FAD]  }
0x28: {  	s2 =	sld [smem:$0x3FAE]  }
0x29: {  	s4 =	sld [smem:$0x3FB0]  }
0x2a: {  	p0 =	seq.s32 s5, $0x0;
	s5 =	sld [smem:$0x3FB1]  }
0x2b: {  	s6 =	sld [smem:$0x3FB2]  }
0x2c: {  	s7 =	sld [smem:$0x3FB3]  }
0x2d: {  	s3 =	simm.s32 $0x108;
	s8 =	sld [smem:$0x3FB4]  }
0x2e: {  	s3 =	simm.s32 @!p0 $0x1082;
	s9 =	sld [smem:$0x3FB5]  }
0x2f: {  	lr =	sadd.s32 s0, s3;
	s0 =	sld [smem:$0x3FAC]  }
0x30: {  	s3 =	sld [smem:$0x3FAF]  }
0x31: {  	[smem:$0x3FB8] =	sst s10  }
0x32: {  	s10 =	sld [smem:$0x3FB6];
	_ =	sdelay $0x3  }
0x33: {  	p0 =	seq.s32 s10, $0x1;
	s10 =	sld [smem:$0x3FB8];
	_ =	sdelay $0x3  }
0x34: {  	[smem:$0x3FB8] =	sst s10  }
0x35: {  	s10 =	sld [smem:$0x3FB7];
	_ =	sdelay $0x3  }
0x36: {  	p1 =	seq.s32 s10, $0x1;
	s10 =	sld [smem:$0x3FB8];
	_ =	sdelay $0x3  }
0x37: {  	[smem:$0x3FB8] =	sst s10  }
0x38: {  	s10 =	sld [smem:$0x3FB9]  }
0x39: {  	_ = 	snop;
	(pc) =	sbr.ind lr, $3  }
0x3a: {  	_ = 	snop  }
0x3b: {  	_ = 	snop  }
0x3c: {  	p2 =	seq.s32 s10, $0x1;
	s10 =	sld [smem:$0x3FB8]  }
0x3d: {  	_ =	shalt  }
0x3e: {  	_ =	shalt  }
0x3f: {  	_ =	shalt  }
0x40: {  	_ =	shalt  }
0x41: {  	_ =	shalt  }
0x42: {  	_ =	shalt  }
0x43: {  	_ =	shalt  }
0x44: {  	_ =	shalt  }
0x45: {  	_ =	shalt  }
0x46: {  	_ =	shalt  }
0x47: {  	_ =	shalt  }
0x48: {  	_ =	shalt  }
0x49: {  	_ =	shalt  }
0x4a: {  	_ =	shalt  }
0x4b: {  	_ =	shalt  }
0x4c: {  	_ =	shalt  }
0x4d: {  	_ =	shalt  }
0x4e: {  	_ =	shalt  }
0x4f: {  	_ =	shalt  }
0x50: {  	_ =	shalt  }
0x51: {  	_ =	shalt  }
0x52: {  	_ =	shalt  }
0x53: {  	_ =	shalt  }
0x54: {  	_ =	shalt  }
0x55: {  	_ =	shalt  }
0x56: {  	_ =	shalt  }
0x57: {  	_ =	shalt  }
0x58: {  	_ =	shalt  }
0x59: {  	_ =	shalt  }
0x5a: {  	_ =	shalt  }
0x5b: {  	_ =	shalt  }
0x5c: {  	_ =	shalt  }
0x5d: {  	_ =	shalt  }
0x5e: {  	_ =	shalt  }
0x5f: {  	_ =	shalt  }
0x60: {  	_ =	shalt  }
0x61: {  	_ =	shalt  }
0x62: {  	_ =	shalt  }
0x63: {  	_ =	shalt  }
0x64: {  	_ =	shalt  }
0x65: {  	_ =	shalt  }
0x66: {  	_ =	shalt  }
0x67: {  	_ =	shalt  }
0x68: {  	_ =	shalt  }
0x69: {  	_ =	shalt  }
0x6a: {  	_ =	shalt  }
0x6b: {  	_ =	shalt  }
0x6c: {  	_ =	shalt  }
0x6d: {  	_ =	shalt  }
0x6e: {  	_ =	shalt  }
0x6f: {  	_ =	shalt  }
0x70: {  	_ =	shalt  }
0x71: {  	_ =	shalt  }
0x72: {  	_ =	shalt  }
0x73: {  	_ =	shalt  }
0x74: {  	_ =	shalt  }
0x75: {  	_ =	shalt  }
0x76: {  	_ =	shalt  }
0x77: {  	_ =	shalt  }
0x78: {  	_ =	shalt  }
0x79: {  	_ =	shalt  }
0x7a: {  	_ =	shalt  }
0x7b: {  	_ =	shalt  }
0x7c: {  	_ =	shalt  }
0x7d: {  	_ =	shalt  }
0x7e: {  	_ =	shalt  }
0x7f: {  	_ =	shalt  }
0x80: {  	_ =	shalt  }
0x81: {  	_ =	shalt  }
0x82: {  	_ =	shalt  }
0x83: {  	_ =	shalt  }
0x84: {  	_ =	shalt  }
0x85: {  	_ =	shalt  }
0x86: {  	_ =	shalt  }
0x87: {  	_ =	shalt  }
.Lfunc_end0:
.L_simem_size_0:
called_computation_lowered:
.L_overlay_start_0:
0x88: {  	s2 =	sld [smem:$0x3FD9]  }
0x89: {  	s3 =	sld [smem:$0x3FFE];
	_ =	sdelay $0x1  }
0x8a: {  	s1 =	srdreg.scid  }
0x8b: {  	s0 =	sand.u32 $0x1, s1  }
0x8c: {  	s17 =	sshll.u32 s0, $0xA;
	s2 =	sadd.s32 s3, s2  }
0x8d: {  	s2 =	sadd.s32 s2, s17  }
0x8e: {  	[smem:$0x3FC4] =	sst s2  }
0x8f: {  	_ = 	snop  }
0x90: {  	s2 =	sld [smem:$0x3FC8]  }
0x91: {  	s18 =	sld [smem:$0x3FD0];
	(tm) =	ssettm $0x1  }
0x92: {  	s4 =	sld [smem:$0x3FFB];
	_ =	sdelay $0x3  }
0x93: {  	_ =	strace s4  }
0x94: {  	s4 =	sld [smem:$0x3FFC];
	_ =	sdelay $0x3  }
0x95: {  	_ =	strace s4  }
0x96: {  	s4 =	sld [smem:$0x3FFD];
	_ =	sdelay $0x3  }
0x97: {  	_ =	strace s4  }
0x98: {  	_ =	strace $0x8FFFFFFF  }
0x99: {  	s19 =	sld [smem:$0x3FDB];
	_ =	sdelay $0x1  }
0x9a: {  	s5 =	simm.s32 $_scs_section_size  }
0x9b: {  	s6 =	simm.s32 $_size__tile_overlayer_lowered;
	s7 =	simm.s32 $_tile_overlayer_lowered  }
0x9c: {  	s22 =	simm.s32 $0x1BFF;
	s21 =	sshll.u32 s7, $0x1;
	s4 =	sadd.s32 s5, s19  }
0x9d: {  	s8 =	simm.s32 $0x0;
	s20 =	sshll.u32 s6, $0x1;
	s6 =	sadd.s32 s21, s4  }
0x9e: {  	[timem:s8], [sflag:s22] =	dma.local [hbm:s6], s20  }
0x9f: {  	_ =	swait.ge [sflag:s22], s20  }
0xa0: {  	s5 =	ssub.s32 $0x0, s20;
	[sflag:s22] =	ssyncset.done $0x0  }
0xa1: {  	[sflag:s22] =	ssyncadd.s32 s5;
	_ =	sdelay $0x1  }
0xa2: {  	s23 =	simm.s32 $0x1B8B  }
0xa3: {  	_ =	swait.ge [sflag:s23], $0x1  }
0xa4: {  	[sflag:s23] =	ssyncset.done $0x0  }
0xa5: {  	s25 =	simm.s32 $0x1B8E;
	s24 =	sld [smem:$0x3FFE];
	[sflag:s23] =	ssyncadd.s32 $0xFFFFFFFF  }
0xa6: {  	s26 =	simm.s32 $execute0_lowered;
	[smem:$0x3FD2] =	sst s25  }
0xa7: {  	s6 =	sshll.u32 s26, $0x1;
	_ =	strace $0x80000046;
	[dreg:$0x1] =	wrdreg $0xFFFFFFFF  }
0xa8: {  	s28 =	simm.s32 $_size_execute0_lowered;
	s4 =	sadd.s32 s4, s6;
	[dreg:$0x0] =	wrdreg $0x0  }
0xa9: {  	s6 =	sshll.u32 s28, $0x1;
	[dreg:$0x2] =	wrdreg s4  }
0xaa: {  	[dreg:$0x3] =	wrdreg s6  }
0xab: {  	[dreg:$0x4] =	wrdreg $0xC0  }
0xac: {  	_ =	task [dreg:s8], $0x5FFFF  }
0xad: {  	[dreg:$0x1] =	wrdreg $0xFFFFFFFF  }
0xae: {  	[dreg:$0x0] =	wrdreg $0x60  }
0xaf: {  	[dreg:$0x2] =	wrdreg s2  }
0xb0: {  	[dreg:$0x3] =	wrdreg s18  }
0xb1: {  	[dreg:$0x4] =	wrdreg s24  }
0xb2: {  	[dreg:$0x5] =	wrdreg $0x9  }
0xb3: {  	_ =	task.clear_ibuf [dreg:s8], $0x6FFFF;
	_ =	strace $0x90000046  }
0xb4: {  	s29 =	simm.s32 $0x9;
	_ =	strace $0x80000048  }
0xb5: {  	_ =	swait.ge [sflag:s29], $0x1  }
0xb6: {  	[sflag:s29] =	ssyncadd.s32 $0xFFFFFFFF  }
0xb7: {  	_ =	strace $0x90000048  }
0xb8: {  	_ =	sfence  }
0xb9: {  	s30 =	sld [smem:$0x0];
	_ =	sdelay $0x2  }
0xba: {  	s31 =	sshll.u32 s1, $0xD;
	s1 =	sshrl.u32 s1, $0x2  }
0xbb: {  	s3 =	sand.u32 $0x4000, s31;
	s1 =	sadd.s32 s1, s30  }
0xbc: {  	s0 =	sor.u32 s3, s0;
	s1 =	sshll.u32 s1, $0x11  }
0xbd: {  	s0 =	sor.u32 s1, s0  }
0xbe: {  	s0 =	sadd.s32 $0x8F2B, s0  }
0xbf: {  	[sflag:s0] =	ssyncadd.remote.s32 $0x1  }
0xc0: {  	_ =	sfence.sel $0xFFFF  }
0xc1: {  	[dreg:$0x0] =	wrdreg $0xFFFFFFFF;
	(pc) =	sbr.abs _section_cstart, $3  }
0xc2: {  	[dreg:$0x1] =	wrdreg $0xFFFFFFFF  }
0xc3: {  	_ =	task.clear_ibuf [dreg:s8], $0x2FFFF;
	_ =	strace $0x9FFFFFFF  }
0xc4: {  	(tm) =	ssettm $0x7FFFFFFF  }
0xc5: {  	_ =	shalt  }
tec
execute0_lowered:
.L_overlay_start_1:
0x0: {  	(tag) =	ssettag $0x1  }
0x1: {  	s1 =	rddreg [dreg:$0x0];
	s2 =	srdreg.scid  }
0x2: {  	s0 =	stileid.u32;
	s4 =	rddreg [dreg:$0x1]  }
0x3: {  	s6 =	rddreg [dreg:$0x2];
	s3 =	simm.s32 $0x0;
	s13 =	simm.s32 $0x5C00  }
0x4: {  	s14 =	simm.s32 $0x1;
	s15 =	simm.s32 $0x3;
	s16 =	simm.s32 $0x2  }
0x5: {  	s17 =	simm.s32 $0x4;
	s18 =	simm.s32 $0x0;
	s10 =	smul.u32 $0x32000, s0  }
0x6: {  	s5 =	sand.u32 $0x1, s2;
	s25 =	sshll.u32 s0, $0x1;
	s12 =	smul.u32 $0x190000, s0  }
0x7: {  	s2 =	rddreg [dreg:$0x3];
	s7 =	sor.u32 s5, s25;
	s29 =	smul.u32 $0xC8000, s5  }
0x8: {  	[smem:$0x7FF] =	sst s3;
	s11 =	sadd.s32 $0x800, s6;
	s8 =	smul.u32 $0x380, s7  }
0x9: {  	_ =	strace $0x80000047;
	s9 =	ssub.s32 $0x2, s5;
	s7 =	smul.u32 $0xC8000, s7  }
0xa: {  	s30 =	smul.u32 $0x19000, s5;
	s26 =	sshrl.u32 s9, $0x1;
	s10 =	sadd.s32 s10, s11  }
0xb: {  	s9 =	ssub.s32 s9, s26;
	s28 =	sshrl.u32 s7, $0x3;
	s4 =	sadd.s32 s4, s8  }
0xc: {  	s7 =	sadd.s32 s29, s12;
	s8 =	sadd.s32 s30, s10;
	s10 =	simm.s32 $0x5  }
0xd: {  	s12 =	simm.s32 $0x1C00;
	s6 =	sadd.s32 s11, s28;
	s31 =	sshrl.u32 s7, $0x3  }
0xe: {  	s7 =	smax.u32 s9, $0x1;
	s8 =	sadd.s32 $0x800, s8;
	s5 =	sadd.s32 $0x18000, s6  }
0xf: {  	s6 =	sadd.s32 $0x18800, s6;
	s9 =	sadd.s32 s31, s11;
	s11 =	simm.s32 $0x80  }
.LBB2_1:
0x10: {  	[tilespmem:s3], [sflag:$0x5] =	stream.linear.gather [hbm4b:s4+s3], $0x1900, $0x38;
	[tilespmem:$0x9C00] =	vst v63  }
0x11: {  	_ =	swait.ge [sflag:s10], $0x1900  }
0x12: {  	[sflag:s10] =	ssyncset.done $0x0  }
0x13: {  	[sflag:s10] =	ssyncadd.s32 $0xFFFFE700  }
0x14: {  	[tilespmem:s12], [sflag:$0x1] =	stream.indirect.gather [hbm4b:s1+s11], $0x80, s3, s11, $0xb8;
	[tilespmem:$0x9C00] =	vst v63  }
0x15: {  	_ = 	snop  }
0x16: {  	[tilespmem:s13], [sflag:$0x2] =	stream.indirect.gather [hbm4b:s1+s11], $0x80, s11, s11, $0xb8;
	[tilespmem:$0x9C00] =	vst v63  }
0x17: {  	_ =	swait.ge [sflag:s14], $0x4000  }
0x18: {  	[sflag:s14] =	ssyncset.done $0x0  }
0x19: {  	s19 =	sadd.s32 $0x0, s9;
	[sflag:s14] =	ssyncadd.s32 $0xFFFFC000  }
0x1a: {  	[hbm4b:s19+s3] =	stream.linear.scatter [tilespmem:s12], [sflag:$0x3], $0x4000, $0x38;
	[tilespmem:$0x9C00] =	vst v63  }
0x1b: {  	_ =	swait.ge [sflag:s15], $0x4000  }
0x1c: {  	[sflag:s15] =	ssyncset.done $0x0  }
0x1d: {  	s30 =	simm.s32 $0x100;
	[sflag:s15] =	ssyncadd.s32 $0xFFFFC000  }
0x1e: {  	[tilespmem:s12], [sflag:$0x1] =	stream.indirect.gather [hbm4b:s1+s11], $0x80, s30, s11, $0xb8;
	[tilespmem:$0x9C00] =	vst v63  }
0x1f: {  	_ =	swait.ge [sflag:s16], $0x4000  }
0x20: {  	[sflag:s16] =	ssyncset.done $0x0  }
0x21: {  	s31 =	sadd.s32 $0x0, s8;
	[sflag:s16] =	ssyncadd.s32 $0xFFFFC000  }
0x22: {  	[hbm4b:s31+s3] =	stream.linear.scatter [tilespmem:s13], [sflag:$0x4], $0x4000, $0x38;
	[tilespmem:$0x9C00] =	vst v63  }
0x23: {  	_ =	swait.ge [sflag:s17], $0x4000  }
0x24: {  	s20 =	simm.s32 $0x1000;
	[sflag:s17] =	ssyncset.done $0x0  }
0x25: {  	s21 =	simm.s32 $0x280;
	s19 =	simm.s32 $0x180;
	[sflag:s17] =	ssyncadd.s32 $0xFFFFC000  }
.LBB2_2:
0x26: {  	[tilespmem:s13], [sflag:$0x2] =	stream.indirect.gather [hbm4b:s1+s11], $0x80, s19, s11, $0xb8;
	[tilespmem:$0x9C00] =	vst v63  }
0x27: {  	s22 =	smov.u32 s20;
	s19 =	smov.u32 s21  }
0x28: {  	p0 =	sne.s32 s20, $0x17000;
	s20 =	sadd.s32 $0x1000, s20;
	_ =	swait.ge [sflag:s14], $0x4000  }
0x29: {  	[sflag:s14] =	ssyncset.done $0x0  }
0x2a: {  	s23 =	sadd.s32 s22, s9;
	[sflag:s14] =	ssyncadd.s32 $0xFFFFC000  }
0x2b: {  	[hbm4b:s23+s3] =	stream.linear.scatter [tilespmem:s12], [sflag:$0x3], $0x4000, $0x38;
	[tilespmem:$0x9C00] =	vst v63  }
0x2c: {  	_ =	swait.ge [sflag:s15], $0x4000  }
0x2d: {  	[sflag:s15] =	ssyncset.done $0x0  }
0x2e: {  	s23 =	sadd.s32 $0xFFFFFF80, s21;
	[sflag:s15] =	ssyncadd.s32 $0xFFFFC000  }
0x2f: {  	[tilespmem:s12], [sflag:$0x1] =	stream.indirect.gather [hbm4b:s1+s11], $0x80, s23, s11, $0xb8;
	[tilespmem:$0x9C00] =	vst v63  }
0x30: {  	_ =	swait.ge [sflag:s16], $0x4000  }
0x31: {  	[sflag:s16] =	ssyncset.done $0x0  }
.Ltmp0:
0x32: {  	s22 =	sadd.s32 s22, s8;
	[sflag:s16] =	ssyncadd.s32 $0xFFFFC000;
	(pc) =	sbr.rel @p0 .LBB2_2-.Ltmp0, $4  }
0x33: {  	[hbm4b:s22+s3] =	stream.linear.scatter [tilespmem:s13], [sflag:$0x4], $0x4000, $0x38;
	[tilespmem:$0x9C00] =	vst v63  }
0x34: {  	_ =	swait.ge [sflag:s17], $0x4000  }
0x35: {  	[sflag:s17] =	ssyncset.done $0x0  }
0x36: {  	s21 =	sadd.s32 $0x100, s21;
	[sflag:s17] =	ssyncadd.s32 $0xFFFFC000  }
0x37: {  	[tilespmem:s13], [sflag:$0x2] =	stream.indirect.gather [hbm4b:s1+s11], $0x80, s19, s11, $0xb8;
	[tilespmem:$0x9C00] =	vst v63  }
0x38: {  	_ =	swait.ge [sflag:s14], $0x4000  }
0x39: {  	[sflag:s14] =	ssyncset.done $0x0  }
0x3a: {  	[sflag:s14] =	ssyncadd.s32 $0xFFFFC000  }
0x3b: {  	[hbm4b:s5+s3] =	stream.linear.scatter [tilespmem:s12], [sflag:$0x3], $0x4000, $0x38;
	[tilespmem:$0x9C00] =	vst v63  }
0x3c: {  	_ =	swait.ge [sflag:s16], $0x4000  }
0x3d: {  	[sflag:s16] =	ssyncset.done $0x0  }
0x3e: {  	s18 =	sadd.s32 $0x1, s18;
	[sflag:s16] =	ssyncadd.s32 $0xFFFFC000  }
0x3f: {  	[hbm4b:s6+s3] =	stream.linear.scatter [tilespmem:s13], [sflag:$0x4], $0x4000, $0x38;
	[tilespmem:$0x9C00] =	vst v63  }
0x40: {  	p0 =	sne.s32 s18, s7;
	_ =	swait.ge [sflag:s15], $0x4000  }
.Ltmp1:
0x41: {  	[sflag:s15] =	ssyncset.done $0x0;
	(pc) =	sbr.rel @p0 .LBB2_1-.Ltmp1, $4  }
0x42: {  	[sflag:s15] =	ssyncadd.s32 $0xFFFFC000  }
0x43: {  	_ =	swait.ge [sflag:s17], $0x4000  }
0x44: {  	[sflag:s17] =	ssyncset.done $0x0  }
0x45: {  	[sflag:s17] =	ssyncadd.s32 $0xFFFFC000  }
0x46: {  	_ =	sfence.sel $0x180000  }
0x47: {  	[bflag:$0x0] =	sbarrier.arrive $0xFFFF  }
0x48: {  	p0 =	sne.s32 s0, $0x0;
	_ =	strace $0x90000047  }
0x49: {  	s0 =	sadd.s32 @!p0 $0x100000, s2;
	[bflag:$0x2] =	sbarrier.arrive $0xFFFF  }
0x4a: {  	[sflag:s0] =	ssyncadd.tile.s32 @!p0 $0x1;
	_ =	shalt  }
.Lfunc_end2:
_tile_overlayer_lowered:
.L_overlay_start_2:
0x4b: {  	(tag) =	ssettag $0x2  }
0x4c: {  	s0 =	rddreg [dreg:$0x0];
	s2 =	stileid.u32  }
0x4d: {  	s1 =	rddreg [dreg:$0x1];
	p0 =	sne.s32 s2, $0x0  }
0x4e: {  	s3 =	rddreg [dreg:$0x2];
	[bflag:$0x3] =	sbarrier.arrive $0xFFFF;
	s2 =	simm.s32 @!p0 $0x1C05  }
0x4f: {  	[timem:s3], [sflag:s2] =	dma.local @!p0 [hbm:s0], s1  }
0x50: {  	s0 =	simm.s32 @!p0 $0x5  }
0x51: {  	_ =	swait.ge @!p0 [sflag:s0], s1  }
0x52: {  	s1 =	ssub.s32 @!p0 $0x0, s1;
	[sflag:s0] =	ssyncset.done @!p0 $0x0  }
0x53: {  	[sflag:s0] =	ssyncadd.s32 @!p0 s1  }
0x54: {  	[bflag:$0x3] =	sbarrier.arrive $0xFFFF  }
0x55: {  	_ =	shalt  }

</sc_bundles>
